<compile_context>
chip_gen: v7x
topology: tpu7x:2x2x1
jax: 0.10.2.dev20260603
libtpu: 0.0.44.dev20260713+nightly
codegen_flags: <defaults>
</compile_context>

<pallas_src>
import functools

import jax
import jax.numpy as jnp
from jax import lax
from jax.experimental import pallas as pl
from jax.experimental.pallas import tpu as pltpu, tpu_sc as plsc

_NC = 2
_NS = 16
_L = 16
_NW = _NC * _NS


def _onehot_body(n_tokens, num_classes, y_hbm, out_hbm, y_v, oh_v):
    tpw = n_tokens // _NW
    wid = lax.axis_index("s") * _NC + lax.axis_index("c")
    base = wid * tpw

    pltpu.sync_copy(y_hbm.at[pl.ds(base, tpw)], y_v)

    zeros = jnp.zeros((_L,), jnp.float32)
    ones = jnp.ones((_L,), jnp.float32)
    lane = lax.iota(jnp.int32, _L)

    def group(g, c):
        row0 = g * _L
        for j in range(_L):
            oh_v[pl.ds((row0 + j) * num_classes, _L)] = zeros
        labels = y_v[pl.ds(row0, _L)]
        plsc.store_scatter(oh_v, [(row0 + lane) * num_classes + labels], ones)
        return c

    lax.fori_loop(0, tpw // _L, group, None)

    pltpu.sync_copy(oh_v, out_hbm.at[pl.ds(base * num_classes, tpw * num_classes)])


def kernel(functional_samples, x, expected_logbeta, y, mollify, mixer, temperature):
    num_classes = functional_samples.shape[1]
    n = y.shape[0]
    tpw = n // _NW
    y32 = y.astype(jnp.int32)

    mesh = plsc.VectorSubcoreMesh(
        core_axis_name="c", subcore_axis_name="s",
        num_cores=_NC, num_subcores=_NS,
    )
    sc_call = pl.kernel(
        functools.partial(_onehot_body, n, num_classes),
        out_type=jax.ShapeDtypeStruct((n * num_classes,), jnp.float32),
        mesh=mesh,
        scratch_types=[
            pltpu.VMEM((tpw,), jnp.int32),
            pltpu.VMEM((tpw * num_classes,), jnp.float32),
        ],
        compiler_params=pltpu.CompilerParams(needs_layout_passes=False),
    )
    out = sc_call(y32).reshape(n, num_classes)
    zero = jnp.zeros((), dtype=jnp.float32)
    return (out, zero, out)

# --- scband reference (transcript-rebuilt; emitter-appended) ---
"""Pipeline reference for scband-oracle-assigments-70832600646107 (READ-ONLY COPY).

The authoritative reference and input builder live on the scoring server;
editing this copy changes nothing except your own understanding.
"""

import jax, jax.numpy as jnp
import numpy as np


def setup_inputs(seed: int = 0) -> dict:
    key = jax.random.key(seed)
    k1, k2, k3, k4 = jax.random.split(key, 4)
    N = 8192
    E = 16
    D = 1024
    functional_samples = jax.random.normal(k1, (N, E), dtype=jnp.float32)
    x = jax.random.normal(k2, (N, D), dtype=jnp.float32)
    expected_logbeta = jax.random.normal(k3, (N, E), dtype=jnp.float32)
    y = jax.random.randint(k4, (N,), 0, E, dtype=jnp.int64)
    return {
        "functional_samples": functional_samples,
        "x": x,
        "expected_logbeta": expected_logbeta,
        "y": y,
        "mollify": jnp.asarray(0.0, dtype=jnp.float32),
        "mixer": jnp.asarray(0.0, dtype=jnp.float32),
        "temperature": jnp.asarray(1.0, dtype=jnp.float32),
    }


def reference(functional_samples, x, expected_logbeta, y, mollify=0.0, mixer=0.0, temperature=1.0):
    # Faithful translation of OracleAssigments.posterior_inference:
    # one-hot oracle assignments from labels y, num_classes = functional_samples.shape[1]
    num_classes = functional_samples.shape[1]
    assigment_samples = jax.nn.one_hot(y, num_classes, dtype=jnp.float32)
    zero = jnp.zeros((), dtype=jnp.float32)
    return (assigment_samples, zero, assigment_samples)

if __name__ == "__main__":
    import jax
    _d = setup_inputs()
    print(jax.jit(kernel)(*tuple(_d.values())))

</pallas_src>

<mosaic_0001>
#map = affine_map<(d0, d1) -> (0)>
module attributes {stable_mosaic.version = 14 : i64} {
  func.func @_onehot_body(%arg0: i32, %arg1: i32, %arg2: memref<8192xi32, #tpu.memory_space<hbm>>, %arg3: memref<131072xf32, #tpu.memory_space<hbm>>, %arg4: memref<256xi32, #tpu.memory_space<vmem>>, %arg5: memref<4096xf32, #tpu.memory_space<vmem>>) attributes {dimension_semantics = [#tpu.dimension_semantics<core_parallel>, #tpu.dimension_semantics<subcore_parallel>], iteration_bounds = array<i64: 2, 16>, scalar_prefetch = 0 : i64, scratch_operands = 2 : i64, tpu.core_type = #tpu.core_type<sc_vector_subcore>, window_params = [{transform_indices = #map}, {transform_indices = #map}]} {
    %mul3A = arith.constant 2 : i32
    %mul3A_0 = arith.muli %arg1, %mul3A : i32
    %add3A = arith.addi %mul3A_0, %arg0 : i32
    %mul3A_1 = arith.constant 256 : i32
    %mul3A_2 = arith.muli %add3A, %mul3A_1 : i32
    "tpu.region"() ({
      %run_scoped3A = tpu.sem_alloc : memref<!tpu.dma_semaphore, #tpu.memory_space<semaphore_mem>>
      %dma_start3A = tpu.memref_slice %arg2[%mul3A_2] : memref<8192xi32, #tpu.memory_space<hbm>> -> memref<256xi32, #tpu.memory_space<hbm>>
      %dma_start3A_12 = tpu.memref_slice %arg2[%mul3A_2] : memref<8192xi32, #tpu.memory_space<hbm>> -> memref<256xi32, #tpu.memory_space<hbm>>
      tpu.enqueue_dma source(%dma_start3A_12 : memref<256xi32, #tpu.memory_space<hbm>>) target(%arg4 : memref<256xi32, #tpu.memory_space<vmem>>) target_semaphore(%run_scoped3A : memref<!tpu.dma_semaphore, #tpu.memory_space<semaphore_mem>>)
      %dma_wait3A = tpu.memref_slice %arg2[%mul3A_2] : memref<8192xi32, #tpu.memory_space<hbm>> -> memref<256xi32, #tpu.memory_space<hbm>>
      %dma_wait3A_13 = tpu.memref_slice %arg2[%mul3A_2] : memref<8192xi32, #tpu.memory_space<hbm>> -> memref<256xi32, #tpu.memory_space<hbm>>
      tpu.wait_dma2 semaphore(%run_scoped3A : memref<!tpu.dma_semaphore, #tpu.memory_space<semaphore_mem>>) src(%dma_wait3A_13 : memref<256xi32, #tpu.memory_space<hbm>>) dst(%arg4 : memref<256xi32, #tpu.memory_space<vmem>>)
      tpu.yield
    }) : () -> ()
    %broadcast_in_dim3A = arith.constant 0.000000e+00 : f32
    %broadcast_in_dim3A_3 = vector.broadcast %broadcast_in_dim3A : f32 to vector<16xf32>
    %broadcast_in_dim3A_4 = arith.constant 1.000000e+00 : f32
    %broadcast_in_dim3A_5 = vector.broadcast %broadcast_in_dim3A_4 : f32 to vector<16xf32>
    %iota3A = tpu.iota {dimensions = array<i32: 0>} : vector<16xi32>
    %scan3A = arith.constant 0 : i32
    %scan3A_6 = arith.constant 16 : i32
    %scan3A_7 = arith.addi %scan3A, %scan3A_6 : i32
    %scan3A_8 = arith.constant 1 : i32
    scf.for %scan3A_12 = %scan3A to %scan3A_7 step %scan3A_8  : i32 {
      %mul3A_13 = arith.constant 16 : i32
      %mul3A_14 = arith.muli %scan3A_12, %mul3A_13 : i32
      %add3A_15 = arith.constant 0 : i32
      %add3A_16 = arith.addi %mul3A_14, %add3A_15 : i32
      %mul3A_17 = arith.constant 16 : i32
      %mul3A_18 = arith.muli %add3A_16, %mul3A_17 : i32
      %swap3A = arith.index_cast %mul3A_18 : i32 to index
      %swap3A_19 = tpu.vector_load %arg5[%swap3A] {strides = array<i32>} : memref<4096xf32, #tpu.memory_space<vmem>>, vector<16xf32>,
      tpu.vector_store %arg5[%swap3A], %broadcast_in_dim3A_3 {strides = array<i32>} : memref<4096xf32, #tpu.memory_space<vmem>>, vector<16xf32>,
      %add3A_20 = arith.constant 1 : i32
      %add3A_21 = arith.addi %mul3A_14, %add3A_20 : i32
      %mul3A_22 = arith.constant 16 : i32
      %mul3A_23 = arith.muli %add3A_21, %mul3A_22 : i32
      %swap3A_24 = arith.index_cast %mul3A_23 : i32 to index
      %swap3A_25 = tpu.vector_load %arg5[%swap3A_24] {strides = array<i32>} : memref<4096xf32, #tpu.memory_space<vmem>>, vector<16xf32>,
      tpu.vector_store %arg5[%swap3A_24], %broadcast_in_dim3A_3 {strides = array<i32>} : memref<4096xf32, #tpu.memory_space<vmem>>, vector<16xf32>,
      %add3A_26 = arith.constant 2 : i32
      %add3A_27 = arith.addi %mul3A_14, %add3A_26 : i32
      %mul3A_28 = arith.constant 16 : i32
      %mul3A_29 = arith.muli %add3A_27, %mul3A_28 : i32
      %swap3A_30 = arith.index_cast %mul3A_29 : i32 to index
      %swap3A_31 = tpu.vector_load %arg5[%swap3A_30] {strides = array<i32>} : memref<4096xf32, #tpu.memory_space<vmem>>, vector<16xf32>,
      tpu.vector_store %arg5[%swap3A_30], %broadcast_in_dim3A_3 {strides = array<i32>} : memref<4096xf32, #tpu.memory_space<vmem>>, vector<16xf32>,
      %add3A_32 = arith.constant 3 : i32
      %add3A_33 = arith.addi %mul3A_14, %add3A_32 : i32
      %mul3A_34 = arith.constant 16 : i32
      %mul3A_35 = arith.muli %add3A_33, %mul3A_34 : i32
      %swap3A_36 = arith.index_cast %mul3A_35 : i32 to index
      %swap3A_37 = tpu.vector_load %arg5[%swap3A_36] {strides = array<i32>} : memref<4096xf32, #tpu.memory_space<vmem>>, vector<16xf32>,
      tpu.vector_store %arg5[%swap3A_36], %broadcast_in_dim3A_3 {strides = array<i32>} : memref<4096xf32, #tpu.memory_space<vmem>>, vector<16xf32>,
      %add3A_38 = arith.constant 4 : i32
      %add3A_39 = arith.addi %mul3A_14, %add3A_38 : i32
      %mul3A_40 = arith.constant 16 : i32
      %mul3A_41 = arith.muli %add3A_39, %mul3A_40 : i32
      %swap3A_42 = arith.index_cast %mul3A_41 : i32 to index
      %swap3A_43 = tpu.vector_load %arg5[%swap3A_42] {strides = array<i32>} : memref<4096xf32, #tpu.memory_space<vmem>>, vector<16xf32>,
      tpu.vector_store %arg5[%swap3A_42], %broadcast_in_dim3A_3 {strides = array<i32>} : memref<4096xf32, #tpu.memory_space<vmem>>, vector<16xf32>,
      %add3A_44 = arith.constant 5 : i32
      %add3A_45 = arith.addi %mul3A_14, %add3A_44 : i32
      %mul3A_46 = arith.constant 16 : i32
      %mul3A_47 = arith.muli %add3A_45, %mul3A_46 : i32
      %swap3A_48 = arith.index_cast %mul3A_47 : i32 to index
      %swap3A_49 = tpu.vector_load %arg5[%swap3A_48] {strides = array<i32>} : memref<4096xf32, #tpu.memory_space<vmem>>, vector<16xf32>,
      tpu.vector_store %arg5[%swap3A_48], %broadcast_in_dim3A_3 {strides = array<i32>} : memref<4096xf32, #tpu.memory_space<vmem>>, vector<16xf32>,
      %add3A_50 = arith.constant 6 : i32
      %add3A_51 = arith.addi %mul3A_14, %add3A_50 : i32
      %mul3A_52 = arith.constant 16 : i32
      %mul3A_53 = arith.muli %add3A_51, %mul3A_52 : i32
      %swap3A_54 = arith.index_cast %mul3A_53 : i32 to index
      %swap3A_55 = tpu.vector_load %arg5[%swap3A_54] {strides = array<i32>} : memref<4096xf32, #tpu.memory_space<vmem>>, vector<16xf32>,
      tpu.vector_store %arg5[%swap3A_54], %broadcast_in_dim3A_3 {strides = array<i32>} : memref<4096xf32, #tpu.memory_space<vmem>>, vector<16xf32>,
      %add3A_56 = arith.constant 7 : i32
      %add3A_57 = arith.addi %mul3A_14, %add3A_56 : i32
      %mul3A_58 = arith.constant 16 : i32
      %mul3A_59 = arith.muli %add3A_57, %mul3A_58 : i32
      %swap3A_60 = arith.index_cast %mul3A_59 : i32 to index
      %swap3A_61 = tpu.vector_load %arg5[%swap3A_60] {strides = array<i32>} : memref<4096xf32, #tpu.memory_space<vmem>>, vector<16xf32>,
      tpu.vector_store %arg5[%swap3A_60], %broadcast_in_dim3A_3 {strides = array<i32>} : memref<4096xf32, #tpu.memory_space<vmem>>, vector<16xf32>,
      %add3A_62 = arith.constant 8 : i32
      %add3A_63 = arith.addi %mul3A_14, %add3A_62 : i32
      %mul3A_64 = arith.constant 16 : i32
      %mul3A_65 = arith.muli %add3A_63, %mul3A_64 : i32
      %swap3A_66 = arith.index_cast %mul3A_65 : i32 to index
      %swap3A_67 = tpu.vector_load %arg5[%swap3A_66] {strides = array<i32>} : memref<4096xf32, #tpu.memory_space<vmem>>, vector<16xf32>,
      tpu.vector_store %arg5[%swap3A_66], %broadcast_in_dim3A_3 {strides = array<i32>} : memref<4096xf32, #tpu.memory_space<vmem>>, vector<16xf32>,
      %add3A_68 = arith.constant 9 : i32
      %add3A_69 = arith.addi %mul3A_14, %add3A_68 : i32
      %mul3A_70 = arith.constant 16 : i32
      %mul3A_71 = arith.muli %add3A_69, %mul3A_70 : i32
      %swap3A_72 = arith.index_cast %mul3A_71 : i32 to index
      %swap3A_73 = tpu.vector_load %arg5[%swap3A_72] {strides = array<i32>} : memref<4096xf32, #tpu.memory_space<vmem>>, vector<16xf32>,
      tpu.vector_store %arg5[%swap3A_72], %broadcast_in_dim3A_3 {strides = array<i32>} : memref<4096xf32, #tpu.memory_space<vmem>>, vector<16xf32>,
      %add3A_74 = arith.constant 10 : i32
      %add3A_75 = arith.addi %mul3A_14, %add3A_74 : i32
      %mul3A_76 = arith.constant 16 : i32
      %mul3A_77 = arith.muli %add3A_75, %mul3A_76 : i32
      %swap3A_78 = arith.index_cast %mul3A_77 : i32 to index
      %swap3A_79 = tpu.vector_load %arg5[%swap3A_78] {strides = array<i32>} : memref<4096xf32, #tpu.memory_space<vmem>>, vector<16xf32>,
      tpu.vector_store %arg5[%swap3A_78], %broadcast_in_dim3A_3 {strides = array<i32>} : memref<4096xf32, #tpu.memory_space<vmem>>, vector<16xf32>,
      %add3A_80 = arith.constant 11 : i32
      %add3A_81 = arith.addi %mul3A_14, %add3A_80 : i32
      %mul3A_82 = arith.constant 16 : i32
      %mul3A_83 = arith.muli %add3A_81, %mul3A_82 : i32
      %swap3A_84 = arith.index_cast %mul3A_83 : i32 to index
      %swap3A_85 = tpu.vector_load %arg5[%swap3A_84] {strides = array<i32>} : memref<4096xf32, #tpu.memory_space<vmem>>, vector<16xf32>,
      tpu.vector_store %arg5[%swap3A_84], %broadcast_in_dim3A_3 {strides = array<i32>} : memref<4096xf32, #tpu.memory_space<vmem>>, vector<16xf32>,
      %add3A_86 = arith.constant 12 : i32
      %add3A_87 = arith.addi %mul3A_14, %add3A_86 : i32
      %mul3A_88 = arith.constant 16 : i32
      %mul3A_89 = arith.muli %add3A_87, %mul3A_88 : i32
      %swap3A_90 = arith.index_cast %mul3A_89 : i32 to index
      %swap3A_91 = tpu.vector_load %arg5[%swap3A_90] {strides = array<i32>} : memref<4096xf32, #tpu.memory_space<vmem>>, vector<16xf32>,
      tpu.vector_store %arg5[%swap3A_90], %broadcast_in_dim3A_3 {strides = array<i32>} : memref<4096xf32, #tpu.memory_space<vmem>>, vector<16xf32>,
      %add3A_92 = arith.constant 13 : i32
      %add3A_93 = arith.addi %mul3A_14, %add3A_92 : i32
      %mul3A_94 = arith.constant 16 : i32
      %mul3A_95 = arith.muli %add3A_93, %mul3A_94 : i32
      %swap3A_96 = arith.index_cast %mul3A_95 : i32 to index
      %swap3A_97 = tpu.vector_load %arg5[%swap3A_96] {strides = array<i32>} : memref<4096xf32, #tpu.memory_space<vmem>>, vector<16xf32>,
      tpu.vector_store %arg5[%swap3A_96], %broadcast_in_dim3A_3 {strides = array<i32>} : memref<4096xf32, #tpu.memory_space<vmem>>, vector<16xf32>,
      %add3A_98 = arith.constant 14 : i32
      %add3A_99 = arith.addi %mul3A_14, %add3A_98 : i32
      %mul3A_100 = arith.constant 16 : i32
      %mul3A_101 = arith.muli %add3A_99, %mul3A_100 : i32
      %swap3A_102 = arith.index_cast %mul3A_101 : i32 to index
      %swap3A_103 = tpu.vector_load %arg5[%swap3A_102] {strides = array<i32>} : memref<4096xf32, #tpu.memory_space<vmem>>, vector<16xf32>,
      tpu.vector_store %arg5[%swap3A_102], %broadcast_in_dim3A_3 {strides = array<i32>} : memref<4096xf32, #tpu.memory_space<vmem>>, vector<16xf32>,
      %add3A_104 = arith.constant 15 : i32
      %add3A_105 = arith.addi %mul3A_14, %add3A_104 : i32
      %mul3A_106 = arith.constant 16 : i32
      %mul3A_107 = arith.muli %add3A_105, %mul3A_106 : i32
      %swap3A_108 = arith.index_cast %mul3A_107 : i32 to index
      %swap3A_109 = tpu.vector_load %arg5[%swap3A_108] {strides = array<i32>} : memref<4096xf32, #tpu.memory_space<vmem>>, vector<16xf32>,
      tpu.vector_store %arg5[%swap3A_108], %broadcast_in_dim3A_3 {strides = array<i32>} : memref<4096xf32, #tpu.memory_space<vmem>>, vector<16xf32>,
      %get3A = arith.index_cast %mul3A_14 : i32 to index
      %get3A_110 = tpu.vector_load %arg4[%get3A] {strides = array<i32>} : memref<256xi32, #tpu.memory_space<vmem>>, vector<16xi32>,
      %add3A_111 = vector.broadcast %mul3A_14 : i32 to vector<16xi32>
      %add3A_112 = arith.addi %add3A_111, %iota3A : vector<16xi32>
      %mul3A_113 = arith.constant 16 : i32
      %mul3A_114 = vector.broadcast %mul3A_113 : i32 to vector<16xi32>
      %mul3A_115 = arith.muli %add3A_112, %mul3A_114 : vector<16xi32>
      %add3A_116 = arith.addi %mul3A_115, %get3A_110 : vector<16xi32>
      tpu.vector_store_idx %arg5[%add3A_116], %broadcast_in_dim3A_5 : memref<4096xf32, #tpu.memory_space<vmem>>[vector<16xi32>], vector<16xf32>,
    }
    %scan3A_9 = arith.constant 16 : i32
    %mul3A_10 = arith.constant 16 : i32
    %mul3A_11 = arith.muli %mul3A_2, %mul3A_10 : i32
    "tpu.region"() ({
      %run_scoped3A = tpu.sem_alloc : memref<!tpu.dma_semaphore, #tpu.memory_space<semaphore_mem>>
      %dma_start3A = tpu.memref_slice %arg3[%mul3A_11] : memref<131072xf32, #tpu.memory_space<hbm>> -> memref<4096xf32, #tpu.memory_space<hbm>>
      %dma_start3A_12 = tpu.memref_slice %arg3[%mul3A_11] : memref<131072xf32, #tpu.memory_space<hbm>> -> memref<4096xf32, #tpu.memory_space<hbm>>
      tpu.enqueue_dma source(%arg5 : memref<4096xf32, #tpu.memory_space<vmem>>) target(%dma_start3A_12 : memref<4096xf32, #tpu.memory_space<hbm>>) target_semaphore(%run_scoped3A : memref<!tpu.dma_semaphore, #tpu.memory_space<semaphore_mem>>)
      %dma_wait3A = tpu.memref_slice %arg3[%mul3A_11] : memref<131072xf32, #tpu.memory_space<hbm>> -> memref<4096xf32, #tpu.memory_space<hbm>>
      %dma_wait3A_13 = tpu.memref_slice %arg3[%mul3A_11] : memref<131072xf32, #tpu.memory_space<hbm>> -> memref<4096xf32, #tpu.memory_space<hbm>>
      tpu.wait_dma2 semaphore(%run_scoped3A : memref<!tpu.dma_semaphore, #tpu.memory_space<semaphore_mem>>) src(%arg5 : memref<4096xf32, #tpu.memory_space<vmem>>) dst(%dma_wait3A_13 : memref<4096xf32, #tpu.memory_space<hbm>>)
      tpu.yield
    }) : () -> ()
    return
  }
}

</mosaic_0001>

<sc_bundles>
// kernel: kernel.3.cloned.1.call-start
scs
__scs_entry_jumppad:
0x0: {  	(pc) =	sbr.rel $0x88, $3  }
0x1: {  	(tag) =	ssettag $0x0;
	lr =	simm.s32 $0x1  }
0x2: {  	[smem:$0x3FA0] =	sst lr;
	_ =	strace $0xD0000000  }
0x3: {  	_ = 	snop  }
0x4: {  	_ = 	snop  }
0x5: {  	_ = 	snop  }
0x6: {  	_ = 	snop  }
0x7: {  	_ = 	snop  }
__scs_overlays_trampoline_lowered:
0x8: {  	[smem:$0x3FAF] =	sst s0  }
0x9: {  	[smem:$0x3FB0] =	sst s1  }
0xa: {  	[smem:$0x3FB1] =	sst s2  }
0xb: {  	[smem:$0x3FB2] =	sst s3  }
0xc: {  	[smem:$0x3FB3] =	sst s4  }
0xd: {  	[smem:$0x3FB4] =	sst s5  }
0xe: {  	[smem:$0x3FB5] =	sst s6  }
0xf: {  	[smem:$0x3FB6] =	sst s7  }
0x10: {  	[smem:$0x3FB7] =	sst s8  }
0x11: {  	[smem:$0x3FB8] =	sst s9;
	s0 =	simm.s32 @!p0 $0x0  }
0x12: {  	s1 =	sld [smem:$0x3F9E];
	s0 =	simm.s32 @p0 $0x1  }
0x13: {  	[smem:$0x3FB9] =	sst s0;
	s0 =	simm.s32 @!p1 $0x0  }
0x14: {  	s2 =	sld [smem:$0x3F9D];
	s0 =	simm.s32 @p1 $0x1  }
0x15: {  	[smem:$0x3FBA] =	sst s0;
	s0 =	simm.s32 @!p2 $0x0  }
0x16: {  	s3 =	sld [smem:$0x3FDB];
	s0 =	simm.s32 @p2 $0x1  }
0x17: {  	s4 =	simm.s32 $0x1BF5;
	[smem:$0x3FBC] =	sst s0  }
0x18: {  	s0 =	sld [smem:$0x3F9F];
	_ =	swait.ge [sflag:s4], $0x0  }
0x19: {  	s7 =	sld [smem:$0x3FA0]  }
0x1a: {  	s8 =	sadd.s32 $0xFFFFE003, lr  }
0x1b: {  	s9 =	sadd.s32 $0xFFFFFEF7, lr;
	s5 =	simm.s32 $0xFFFFFFFF;
	p2 =	slt.u32 s8, $0xFFFFF086  }
0x1c: {  	p1 =	slt.u32 s9, $0xF7A;
	s5 =	simm.s32 @!p2 $0x0  }
0x1d: {  	s5 =	simm.s32 @p1 $0x1;
	p0 =	seq.s32 s7, s2  }
0x1e: {  	s7 =	smul.u32 @!p0 $0xF7A, s2;
	p2 =	seq.s32 @!p0 s5, $0x0  }
0x1f: {  	s9 =	smul.u32 $0xF7A, s1;
	s8 =	simm.s32 @!p0 $0x1BF5;
	p2 =	por !p2, p0  }
0x20: {  	[sflag:s8] =	ssyncset.s32 @!p0 $0xFFFFF086;
	s6 =	sadd.s32 @!p0 s3, s7;
	s7 =	simm.s32 @!p0 $0x108  }
0x21: {  	s3 =	sadd.s32 s3, s9;
	s6 =	sadd.s32 @!p0 $0x88, s6;
	s7 =	simm.s32 @p2 $0x1082  }
0x22: {  	[simem:s7], [sflag:s8] =	dma.local @!p0 [hbm:s6], $0xF7A  }
0x23: {  	s9 =	sor.u32 $0xD0000000, s2;
	s6 =	simm.s32 $0x108;
	_ =	swait.ge @!p0 [sflag:s8], $0x0  }
0x24: {  	s3 =	sadd.s32 $0x88, s3;
	s6 =	simm.s32 @!p1 $0x1082;
	[sflag:s4] =	ssyncset.s32 $0xFFFFF086  }
0x25: {  	[simem:s6], [sflag:s4] =	dma.local [hbm:s3], $0xF7A  }
0x26: {  	[smem:$0x3FA0] =	sst s1;
	(tag) =	ssettag s2;
	_ =	strace s9  }
0x27: {  	s1 =	sld [smem:$0x3FB0]  }
0x28: {  	s2 =	sld [smem:$0x3FB1]  }
0x29: {  	s4 =	sld [smem:$0x3FB3]  }
0x2a: {  	p0 =	seq.s32 s5, $0x0;
	s5 =	sld [smem:$0x3FB4]  }
0x2b: {  	s6 =	sld [smem:$0x3FB5]  }
0x2c: {  	s7 =	sld [smem:$0x3FB6]  }
0x2d: {  	s3 =	simm.s32 $0x108;
	s8 =	sld [smem:$0x3FB7]  }
0x2e: {  	s3 =	simm.s32 @!p0 $0x1082;
	s9 =	sld [smem:$0x3FB8]  }
0x2f: {  	lr =	sadd.s32 s0, s3;
	s0 =	sld [smem:$0x3FAF]  }
0x30: {  	s3 =	sld [smem:$0x3FB2]  }
0x31: {  	[smem:$0x3FBB] =	sst s10  }
0x32: {  	s10 =	sld [smem:$0x3FB9];
	_ =	sdelay $0x3  }
0x33: {  	p0 =	seq.s32 s10, $0x1;
	s10 =	sld [smem:$0x3FBB];
	_ =	sdelay $0x3  }
0x34: {  	[smem:$0x3FBB] =	sst s10  }
0x35: {  	s10 =	sld [smem:$0x3FBA];
	_ =	sdelay $0x3  }
0x36: {  	p1 =	seq.s32 s10, $0x1;
	s10 =	sld [smem:$0x3FBB];
	_ =	sdelay $0x3  }
0x37: {  	[smem:$0x3FBB] =	sst s10  }
0x38: {  	s10 =	sld [smem:$0x3FBC]  }
0x39: {  	_ = 	snop;
	(pc) =	sbr.ind lr, $3  }
0x3a: {  	_ = 	snop  }
0x3b: {  	_ = 	snop  }
0x3c: {  	p2 =	seq.s32 s10, $0x1;
	s10 =	sld [smem:$0x3FBB]  }
0x3d: {  	_ =	shalt  }
0x3e: {  	_ =	shalt  }
0x3f: {  	_ =	shalt  }
0x40: {  	_ =	shalt  }
0x41: {  	_ =	shalt  }
0x42: {  	_ =	shalt  }
0x43: {  	_ =	shalt  }
0x44: {  	_ =	shalt  }
0x45: {  	_ =	shalt  }
0x46: {  	_ =	shalt  }
0x47: {  	_ =	shalt  }
0x48: {  	_ =	shalt  }
0x49: {  	_ =	shalt  }
0x4a: {  	_ =	shalt  }
0x4b: {  	_ =	shalt  }
0x4c: {  	_ =	shalt  }
0x4d: {  	_ =	shalt  }
0x4e: {  	_ =	shalt  }
0x4f: {  	_ =	shalt  }
0x50: {  	_ =	shalt  }
0x51: {  	_ =	shalt  }
0x52: {  	_ =	shalt  }
0x53: {  	_ =	shalt  }
0x54: {  	_ =	shalt  }
0x55: {  	_ =	shalt  }
0x56: {  	_ =	shalt  }
0x57: {  	_ =	shalt  }
0x58: {  	_ =	shalt  }
0x59: {  	_ =	shalt  }
0x5a: {  	_ =	shalt  }
0x5b: {  	_ =	shalt  }
0x5c: {  	_ =	shalt  }
0x5d: {  	_ =	shalt  }
0x5e: {  	_ =	shalt  }
0x5f: {  	_ =	shalt  }
0x60: {  	_ =	shalt  }
0x61: {  	_ =	shalt  }
0x62: {  	_ =	shalt  }
0x63: {  	_ =	shalt  }
0x64: {  	_ =	shalt  }
0x65: {  	_ =	shalt  }
0x66: {  	_ =	shalt  }
0x67: {  	_ =	shalt  }
0x68: {  	_ =	shalt  }
0x69: {  	_ =	shalt  }
0x6a: {  	_ =	shalt  }
0x6b: {  	_ =	shalt  }
0x6c: {  	_ =	shalt  }
0x6d: {  	_ =	shalt  }
0x6e: {  	_ =	shalt  }
0x6f: {  	_ =	shalt  }
0x70: {  	_ =	shalt  }
0x71: {  	_ =	shalt  }
0x72: {  	_ =	shalt  }
0x73: {  	_ =	shalt  }
0x74: {  	_ =	shalt  }
0x75: {  	_ =	shalt  }
0x76: {  	_ =	shalt  }
0x77: {  	_ =	shalt  }
0x78: {  	_ =	shalt  }
0x79: {  	_ =	shalt  }
0x7a: {  	_ =	shalt  }
0x7b: {  	_ =	shalt  }
0x7c: {  	_ =	shalt  }
0x7d: {  	_ =	shalt  }
0x7e: {  	_ =	shalt  }
0x7f: {  	_ =	shalt  }
0x80: {  	_ =	shalt  }
0x81: {  	_ =	shalt  }
0x82: {  	_ =	shalt  }
0x83: {  	_ =	shalt  }
0x84: {  	_ =	shalt  }
0x85: {  	_ =	shalt  }
0x86: {  	_ =	shalt  }
0x87: {  	_ =	shalt  }
.Lfunc_end0:
.L_simem_size_0:
called_computation_lowered:
.L_overlay_start_0:
0x88: {  	s2 =	sld [smem:$0x3FD9]  }
0x89: {  	s3 =	sld [smem:$0x3FFE];
	_ =	sdelay $0x1  }
0x8a: {  	s1 =	srdreg.scid  }
0x8b: {  	s0 =	sand.u32 $0x1, s1  }
0x8c: {  	s15 =	sshll.u32 s0, $0xA;
	s2 =	sadd.s32 s3, s2  }
0x8d: {  	s2 =	sadd.s32 s2, s15  }
0x8e: {  	[smem:$0x3FC7] =	sst s2  }
0x8f: {  	_ = 	snop  }
0x90: {  	s2 =	sld [smem:$0x3FD0];
	_ =	sdelay $0x2  }
0x91: {  	s4 =	simm.s32 $0xA;
	s5 =	simm.s32 $0x10;
	s16 =	sld [smem:$0x3FC9]  }
0x92: {  	[smem:s5], [sflag:s4] =	dma.local [hbm:s2], $0x1  }
0x93: {  	_ =	swait.eq [sflag:s4], $0x1  }
0x94: {  	[sflag:s4] =	ssyncset.done $0x0  }
0x95: {  	[sflag:s4] =	ssyncadd.s32 $0xFFFFFFFF  }
0x96: {  	s17 =	sld [smem:$0x12];
	(tm) =	ssettm $0x1  }
0x97: {  	s18 =	sld [smem:$0x3FFB];
	_ =	sdelay $0x3  }
0x98: {  	_ =	strace s18  }
0x99: {  	s4 =	sld [smem:$0x3FFC];
	_ =	sdelay $0x3  }
0x9a: {  	_ =	strace s4  }
0x9b: {  	s4 =	sld [smem:$0x3FFD];
	_ =	sdelay $0x3  }
0x9c: {  	_ =	strace s4  }
0x9d: {  	_ =	strace $0x8FFFFFFF  }
0x9e: {  	s19 =	sld [smem:$0x3FDB];
	_ =	sdelay $0x1  }
0x9f: {  	s20 =	simm.s32 $_scs_section_size  }
0xa0: {  	s6 =	simm.s32 $_size__tile_overlayer_lowered;
	s7 =	simm.s32 $_tile_overlayer_lowered  }
0xa1: {  	s23 =	simm.s32 $0x1BFF;
	s22 =	sshll.u32 s7, $0x1;
	s4 =	sadd.s32 s20, s19  }
0xa2: {  	s8 =	simm.s32 $0x0;
	s21 =	sshll.u32 s6, $0x1;
	s6 =	sadd.s32 s22, s4  }
0xa3: {  	[timem:s8], [sflag:s23] =	dma.local [hbm:s6], s21  }
0xa4: {  	_ =	swait.ge [sflag:s23], s21  }
0xa5: {  	s5 =	ssub.s32 $0x0, s21;
	[sflag:s23] =	ssyncset.done $0x0  }
0xa6: {  	[sflag:s23] =	ssyncadd.s32 s5;
	_ =	sdelay $0x1  }
0xa7: {  	s24 =	simm.s32 $0x1B8B  }
0xa8: {  	_ =	swait.ge [sflag:s24], $0x1  }
0xa9: {  	[sflag:s24] =	ssyncset.done $0x0  }
0xaa: {  	s25 =	simm.s32 $0x1B8E;
	[sflag:s24] =	ssyncadd.s32 $0xFFFFFFFF  }
0xab: {  	s26 =	simm.s32 $execute0_lowered;
	[smem:$0x3FD2] =	sst s25  }
0xac: {  	s5 =	sshll.u32 s26, $0x1;
	_ =	strace $0x80000046;
	[dreg:$0x1] =	wrdreg $0xFFFFFFFF  }
0xad: {  	s28 =	simm.s32 $_size_execute0_lowered;
	s4 =	sadd.s32 s4, s5;
	[dreg:$0x0] =	wrdreg $0x0  }
0xae: {  	s5 =	sshll.u32 s28, $0x1;
	[dreg:$0x2] =	wrdreg s4  }
0xaf: {  	[dreg:$0x3] =	wrdreg s5  }
0xb0: {  	[dreg:$0x4] =	wrdreg $0xC0  }
0xb1: {  	_ =	task [dreg:s8], $0x5FFFF  }
0xb2: {  	[dreg:$0x1] =	wrdreg $0xFFFFFFFF  }
0xb3: {  	[dreg:$0x0] =	wrdreg $0x60  }
0xb4: {  	[dreg:$0x2] =	wrdreg s16  }
0xb5: {  	[dreg:$0x3] =	wrdreg s17  }
0xb6: {  	[dreg:$0x4] =	wrdreg $0x9  }
0xb7: {  	_ =	task.clear_ibuf [dreg:s8], $0x5FFFF;
	_ =	strace $0x90000046  }
0xb8: {  	s29 =	simm.s32 $0x9;
	_ =	strace $0x80000048  }
0xb9: {  	_ =	swait.ge [sflag:s29], $0x1  }
0xba: {  	[sflag:s29] =	ssyncadd.s32 $0xFFFFFFFF  }
0xbb: {  	_ =	strace $0x90000048  }
0xbc: {  	_ =	sfence  }
0xbd: {  	s30 =	sld [smem:$0x0];
	_ =	sdelay $0x2  }
0xbe: {  	s31 =	sshll.u32 s1, $0xD;
	s1 =	sshrl.u32 s1, $0x2  }
0xbf: {  	s3 =	sand.u32 $0x4000, s31;
	s1 =	sadd.s32 s1, s30  }
0xc0: {  	s0 =	sor.u32 s3, s0;
	s1 =	sshll.u32 s1, $0x11  }
0xc1: {  	s0 =	sor.u32 s1, s0  }
0xc2: {  	s0 =	sadd.s32 $0x8F2B, s0  }
0xc3: {  	[sflag:s0] =	ssyncadd.remote.s32 $0x1  }
0xc4: {  	_ =	sfence.sel $0xFFFF  }
0xc5: {  	[dreg:$0x0] =	wrdreg $0xFFFFFFFF;
	(pc) =	sbr.abs _section_cstart, $3  }
0xc6: {  	[dreg:$0x1] =	wrdreg $0xFFFFFFFF  }
0xc7: {  	_ =	task.clear_ibuf [dreg:s8], $0x2FFFF;
	_ =	strace $0x9FFFFFFF  }
0xc8: {  	(tm) =	ssettm $0x7FFFFFFF  }
0xc9: {  	_ =	shalt  }
tec
execute0_lowered:
.L_overlay_start_1:
0x0: {  	(tag) =	ssettag $0x1  }
0x1: {  	s3 =	rddreg [dreg:$0x0]  }
0x2: {  	s4 =	rddreg [dreg:$0x1]  }
0x3: {  	s0 =	rddreg [dreg:$0x2];
	s5 =	srdreg.scid  }
0x4: {  	s2 =	simm.s32 $0x0;
	s1 =	stileid.u32;
	s5 =	sand.u32 $0x1, s5  }
0x5: {  	[smem:$0x7FF] =	sst s2;
	s7 =	sshll.u32 s1, $0x1;
	s6 =	ssub.s32 $0x2, s5  }
0x6: {  	_ =	strace $0x80000047;
	s5 =	sor.u32 s5, s7;
	s8 =	sshrl.u32 s6, $0x1  }
0x7: {  	s7 =	sshll.u32 s5, $0x5;
	s5 =	sshll.u32 s5, $0x9;
	s6 =	ssub.s32 s6, s8  }
0x8: {  	v1 =	vlaneseq.u32;
	s3 =	sadd.s32 s3, s7;
	s4 =	sadd.s32 s4, s5;
	s7 =	simm.s32 $0x100  }
0x9: {  	v0 =	vimm.f32 $0.0e+00;
	v2 =	vimm.f32 $1.000000000e+00;
	v1 =	vmul.u32 $0x10, v1;
	s8 =	simm.s32 $0x0;
	s5 =	smax.u32 s6, $0x1;
	s6 =	simm.s32 $0x1  }
.LBB2_1:
0xa: {  	[tilespmem:s2], [sflag:$0x1] =	stream.linear.gather [hbm4b:s3+s2], $0x100, $0x38;
	[tilespmem:$0x1100] =	vst v63  }
0xb: {  	_ =	swait.ge [sflag:s6], $0x100  }
0xc: {  	[sflag:s6] =	ssyncset.done $0x0  }
0xd: {  	s9 =	simm.s32 $0x180;
	[sflag:s6] =	ssyncadd.s32 $0xFFFFFF00  }
0xe: {  	[tilespmem:s9+$0xFFFFFFA0] =	vst v0  }
0xf: {  	[tilespmem:s9+$0xFFFFFFB0] =	vst v0  }
0x10: {  	[tilespmem:s9+$0xFFFFFFC0] =	vst v0  }
0x11: {  	[tilespmem:s9+$0xFFFFFFD0] =	vst v0  }
0x12: {  	[tilespmem:s9+$0xFFFFFF80] =	vst v0  }
0x13: {  	[tilespmem:s9+$0x70] =	vst v0  }
0x14: {  	[tilespmem:s9+$0x60] =	vst v0  }
0x15: {  	[tilespmem:s9+$0x50] =	vst v0  }
0x16: {  	[tilespmem:s9+$0x40] =	vst v0  }
0x17: {  	[tilespmem:s9+$0x30] =	vst v0  }
0x18: {  	[tilespmem:s9+$0x20] =	vst v0  }
0x19: {  	[tilespmem:s9+$0x10] =	vst v0  }
0x1a: {  	[tilespmem:s9+$0x0] =	vst v0  }
0x1b: {  	[tilespmem:s9+$0xFFFFFFF0] =	vst v0  }
0x1c: {  	[tilespmem:s9+$0xFFFFFFE0] =	vst v0  }
0x1d: {  	[tilespmem:s9+$0xFFFFFF90] =	vst v0  }
0x1e: {  	v3 =	vld [tilespmem:s2+$0x0];
	_ =	sdelay $0x1  }
0x1f: {  	v4 =	vmov s2  }
0x20: {  	v4 =	vshll.u32 v4, $0x4  }
0x21: {  	v4 =	vor.u32 v1, v4  }
0x22: {  	s10 =	simm.s32 $0x10;
	s11 =	simm.s32 $0x0;
	v3 =	vadd.s32 v4, v3  }
.LBB2_2:
0x23: {  	_ =	sdelay $0x3  }
0x24: {  	p0 =	sne.s32 s10, $0xF0;
	[tilespmem:v3+s7+$0x0] =	vst.idx.msk $0xffff, v2;
	s11 =	sadd.s32 $0x10, s11;
	s9 =	sadd.s32 $0x100, s9  }
0x25: {  	s12 =	smov.u32 s10;
	s10 =	sadd.s32 $0x10, s10;
	[tilespmem:s9+$0xFFFFFFA0] =	vst v0  }
0x26: {  	[tilespmem:s9+$0xFFFFFFB0] =	vst v0  }
0x27: {  	[tilespmem:s9+$0xFFFFFFC0] =	vst v0  }
0x28: {  	[tilespmem:s9+$0xFFFFFFD0] =	vst v0  }
0x29: {  	[tilespmem:s9+$0xFFFFFF80] =	vst v0  }
0x2a: {  	[tilespmem:s9+$0x70] =	vst v0  }
0x2b: {  	[tilespmem:s9+$0x60] =	vst v0  }
0x2c: {  	[tilespmem:s9+$0x50] =	vst v0  }
0x2d: {  	[tilespmem:s9+$0x40] =	vst v0  }
0x2e: {  	[tilespmem:s9+$0x30] =	vst v0  }
0x2f: {  	[tilespmem:s9+$0x20] =	vst v0  }
0x30: {  	[tilespmem:s9+$0x10] =	vst v0  }
0x31: {  	[tilespmem:s9+$0x0] =	vst v0  }
0x32: {  	[tilespmem:s9+$0xFFFFFFF0] =	vst v0  }
0x33: {  	[tilespmem:s9+$0xFFFFFFE0] =	vst v0  }
0x34: {  	[tilespmem:s9+$0xFFFFFF90] =	vst v0  }
0x35: {  	v3 =	vld [tilespmem:s11+$0x0]  }
.Ltmp0:
0x36: {  	(pc) =	sbr.rel @p0 .LBB2_2-.Ltmp0, $4  }
0x37: {  	v4 =	vmov s12  }
0x38: {  	v4 =	vshll.u32 v4, $0x4  }
0x39: {  	v4 =	vor.u32 v1, v4  }
0x3a: {  	v3 =	vadd.s32 v4, v3  }
0x3b: {  	_ =	sdelay $0x1  }
0x3c: {  	s8 =	sadd.s32 $0x1, s8  }
0x3d: {  	p0 =	sne.s32 s8, s5  }
.Ltmp1:
0x3e: {  	[tilespmem:v3+s7+$0x0] =	vst.idx.msk $0xffff, v2;
	(pc) =	sbr.rel @p0 .LBB2_1-.Ltmp1, $4  }
0x3f: {  	[hbm4b:s4+s2] =	stream.linear.scatter [tilespmem:s7], [sflag:$0x1], $0x1000, $0x38;
	[tilespmem:$0x1100] =	vst v63  }
0x40: {  	_ =	swait.ge [sflag:s6], $0x1000  }
0x41: {  	[sflag:s6] =	ssyncset.done $0x0  }
0x42: {  	[sflag:s6] =	ssyncadd.s32 $0xFFFFF000  }
0x43: {  	_ =	sfence.sel $0x180000  }
0x44: {  	[bflag:$0x0] =	sbarrier.arrive $0xFFFF  }
0x45: {  	p0 =	sne.s32 s1, $0x0;
	_ =	strace $0x90000047  }
0x46: {  	s0 =	sadd.s32 @!p0 $0x100000, s0;
	[bflag:$0x2] =	sbarrier.arrive $0xFFFF  }
0x47: {  	[sflag:s0] =	ssyncadd.tile.s32 @!p0 $0x1;
	_ =	shalt  }
.Lfunc_end2:
_tile_overlayer_lowered:
.L_overlay_start_2:
0x48: {  	(tag) =	ssettag $0x2  }
0x49: {  	s0 =	rddreg [dreg:$0x0];
	s2 =	stileid.u32  }
0x4a: {  	s1 =	rddreg [dreg:$0x1];
	p0 =	sne.s32 s2, $0x0  }
0x4b: {  	s3 =	rddreg [dreg:$0x2];
	[bflag:$0x3] =	sbarrier.arrive $0xFFFF;
	s2 =	simm.s32 @!p0 $0x1C01  }
0x4c: {  	[timem:s3], [sflag:s2] =	dma.local @!p0 [hbm:s0], s1  }
0x4d: {  	s0 =	simm.s32 @!p0 $0x1  }
0x4e: {  	_ =	swait.ge @!p0 [sflag:s0], s1  }
0x4f: {  	s1 =	ssub.s32 @!p0 $0x0, s1;
	[sflag:s0] =	ssyncset.done @!p0 $0x0  }
0x50: {  	[sflag:s0] =	ssyncadd.s32 @!p0 s1  }
0x51: {  	[bflag:$0x3] =	sbarrier.arrive $0xFFFF  }
0x52: {  	_ =	shalt  }

</sc_bundles>
